<compile_context>
chip_gen: v7x
topology: tpu7x:2x2x1
jax: 0.10.2.dev20260603
libtpu: 0.0.44.dev20260713+nightly
codegen_flags: <defaults>
</compile_context>

<pallas_src>
import functools

import jax
import jax.numpy as jnp
from jax import lax
from jax.experimental import pallas as pl
from jax.experimental.pallas import tpu as pltpu
from jax.experimental.pallas import tpu_sc as plsc

_D = 128
_WIN = 100.0
_WAVELENGTH = 0.001
_NC, _NS = 2, 16
_NW = _NC * _NS
_LANES = 16
_CHUNK = 256


def _compute_idx(mass_v, idx_v, n):

    def body(i, carry):
        m = mass_v[pl.ds(i * _LANES, _LANES)]
        m = jnp.minimum(jnp.maximum(m, -_WIN), _WIN)
        m = (m + 1.0) + _WIN
        idx_v[pl.ds(i * _LANES, _LANES)] = (m / _WAVELENGTH).astype(jnp.int32)
        return carry

    lax.fori_loop(0, n // _LANES, body, 0)


def _sc_gather(mass_flat, pe):
    B = mass_flat.shape[0]
    bpw = B // _NW
    nchunk = bpw // _CHUNK
    mesh = plsc.VectorSubcoreMesh(
        core_axis_name="c", subcore_axis_name="s",
        num_cores=_NC, num_subcores=_NS,
    )

    @functools.partial(
        pl.kernel,
        out_type=jax.ShapeDtypeStruct((B, _D), jnp.float32),
        mesh=mesh,
        scratch_types=[
            pltpu.VMEM((_CHUNK,), jnp.float32),
            pltpu.VMEM((_CHUNK,), jnp.int32),
            pltpu.VMEM((_CHUNK, _D), jnp.float32),
            pltpu.SemaphoreType.DMA,
        ],
    )
    def k(mass_hbm, pe_hbm, out_hbm, mass_v, idx_v, rows_v, sem):
        wid = lax.axis_index("s") * _NC + lax.axis_index("c")
        base = wid * bpw

        def chunk_body(c, carry):
            off = base + c * _CHUNK
            pltpu.sync_copy(mass_hbm.at[pl.ds(off, _CHUNK)], mass_v)
            _compute_idx(mass_v, idx_v, _CHUNK)
            pltpu.async_copy(pe_hbm.at[idx_v], rows_v, sem).wait()
            pltpu.sync_copy(rows_v, out_hbm.at[pl.ds(off, _CHUNK)])
            return carry

        lax.fori_loop(0, nchunk, chunk_body, 0)

    return k(mass_flat, pe)


def kernel(mass, pe):
    b, s, one = mass.shape
    out = _sc_gather(mass.reshape(b * s * one), pe)
    return out.reshape(b, s, one, _D)

# --- scband reference (transcript-rebuilt; emitter-appended) ---
"""Pipeline reference for scband-localised-encoding-81698867905052 (READ-ONLY COPY).

The authoritative reference and input builder live on the scoring server;
editing this copy changes nothing except your own understanding.
"""

import math
import jax, jax.numpy as jnp
import numpy as np

D_MODEL = 128
WINDOW_SIZE = 100
MIN_WAVELENGTH = 0.001
MAX_LEN = int((WINDOW_SIZE + 1) * 2 / MIN_WAVELENGTH)


def _build_pe():
    position = jnp.arange(MAX_LEN, dtype=jnp.float32)[:, None] - (MAX_LEN // 2)
    div_term = jnp.exp(jnp.arange(0, D_MODEL, 2, dtype=jnp.float32) * (-math.log(10000.0) / D_MODEL))
    pe = jnp.zeros((MAX_LEN, D_MODEL), dtype=jnp.float32)
    pe = pe.at[:, 0::2].set(jnp.sin(position * div_term))
    pe = pe.at[:, 1::2].set(jnp.cos(position * div_term))
    return pe


def setup_inputs(seed: int = 0) -> dict:
    key = jax.random.key(seed)
    mass = jax.random.normal(key, (1024, 200, 1), dtype=jnp.float32)
    pe = _build_pe()
    return {"mass": mass, "pe": pe}


def reference(mass, pe):
    mass = jnp.clip(mass, -WINDOW_SIZE, WINDOW_SIZE)
    mass_idx = ((mass + 1 + WINDOW_SIZE) / MIN_WAVELENGTH).astype(jnp.int32)
    return jnp.take(pe, mass_idx, axis=0)

if __name__ == "__main__":
    import jax
    _d = setup_inputs()
    print(jax.jit(kernel)(*tuple(_d.values())))

</pallas_src>

<mosaic_0001>
#map = affine_map<(d0, d1) -> (0)>
#map1 = affine_map<(d0, d1) -> (0, 0)>
module attributes {stable_mosaic.version = 14 : i64} {
  func.func @k(%arg0: i32, %arg1: i32, %arg2: memref<204800xf32, #tpu.memory_space<hbm>>, %arg3: memref<202000x128xf32, #tpu.memory_space<hbm>>, %arg4: memref<204800x128xf32, #tpu.memory_space<hbm>>, %arg5: memref<256xf32, #tpu.memory_space<vmem>>, %arg6: memref<256xi32, #tpu.memory_space<vmem>>, %arg7: memref<256x128xf32, #tpu.memory_space<vmem>>, %arg8: memref<!tpu.dma_semaphore, #tpu.memory_space<semaphore_mem>>) attributes {dimension_semantics = [#tpu.dimension_semantics<core_parallel>, #tpu.dimension_semantics<subcore_parallel>], iteration_bounds = array<i64: 2, 16>, scalar_prefetch = 0 : i64, scratch_operands = 4 : i64, tpu.core_type = #tpu.core_type<sc_vector_subcore>, window_params = [{transform_indices = #map}, {transform_indices = #map1}, {transform_indices = #map1}]} {
    %mul3A = arith.constant 2 : i32
    %mul3A_0 = arith.muli %arg1, %mul3A : i32
    %add3A = arith.addi %mul3A_0, %arg0 : i32
    %mul3A_1 = arith.constant 6400 : i32
    %mul3A_2 = arith.muli %add3A, %mul3A_1 : i32
    %scan3A = arith.constant 0 : i32
    %scan3A_3 = arith.constant 0 : i32
    %scan3A_4 = arith.constant 25 : i32
    %scan3A_5 = arith.addi %scan3A_3, %scan3A_4 : i32
    %scan3A_6 = arith.constant 1 : i32
    scf.for %scan3A_8 = %scan3A_3 to %scan3A_5 step %scan3A_6  : i32 {
      %mul3A_9 = arith.constant 256 : i32
      %mul3A_10 = arith.muli %scan3A_8, %mul3A_9 : i32
      %add3A_11 = arith.addi %mul3A_2, %mul3A_10 : i32
      "tpu.region"() ({
        %run_scoped3A = tpu.sem_alloc : memref<!tpu.dma_semaphore, #tpu.memory_space<semaphore_mem>>
        %dma_start3A_22 = tpu.memref_slice %arg2[%add3A_11] : memref<204800xf32, #tpu.memory_space<hbm>> -> memref<256xf32, #tpu.memory_space<hbm>>
        %dma_start3A_23 = tpu.memref_slice %arg2[%add3A_11] : memref<204800xf32, #tpu.memory_space<hbm>> -> memref<256xf32, #tpu.memory_space<hbm>>
        tpu.enqueue_dma source(%dma_start3A_23 : memref<256xf32, #tpu.memory_space<hbm>>) target(%arg5 : memref<256xf32, #tpu.memory_space<vmem>>) target_semaphore(%run_scoped3A : memref<!tpu.dma_semaphore, #tpu.memory_space<semaphore_mem>>)
        %dma_wait3A_24 = tpu.memref_slice %arg2[%add3A_11] : memref<204800xf32, #tpu.memory_space<hbm>> -> memref<256xf32, #tpu.memory_space<hbm>>
        %dma_wait3A_25 = tpu.memref_slice %arg2[%add3A_11] : memref<204800xf32, #tpu.memory_space<hbm>> -> memref<256xf32, #tpu.memory_space<hbm>>
        tpu.wait_dma2 semaphore(%run_scoped3A : memref<!tpu.dma_semaphore, #tpu.memory_space<semaphore_mem>>) src(%dma_wait3A_25 : memref<256xf32, #tpu.memory_space<hbm>>) dst(%arg5 : memref<256xf32, #tpu.memory_space<vmem>>)
        tpu.yield
      }) : () -> ()
      %scan3A_12 = arith.constant 0 : i32
      %scan3A_13 = arith.constant 0 : i32
      %scan3A_14 = arith.constant 16 : i32
      %scan3A_15 = arith.addi %scan3A_13, %scan3A_14 : i32
      %scan3A_16 = arith.constant 1 : i32
      scf.for %scan3A_22 = %scan3A_13 to %scan3A_15 step %scan3A_16  : i32 {
        %mul3A_23 = arith.constant 16 : i32
        %mul3A_24 = arith.muli %scan3A_22, %mul3A_23 : i32
        %get3A = arith.index_cast %mul3A_24 : i32 to index
        %get3A_25 = tpu.vector_load %arg5[%get3A] {strides = array<i32>} : memref<256xf32, #tpu.memory_space<vmem>>, vector<16xf32>,
        %get3A_26 = vector.shape_cast %get3A_25 : vector<16xf32> to vector<16xf32>
        %max3A = arith.constant -1.000000e+02 : f32
        %max3A_27 = vector.broadcast %max3A : f32 to vector<16xf32>
        %max3A_28 = arith.maximumf %get3A_26, %max3A_27 : vector<16xf32>
        %min3A = arith.constant 1.000000e+02 : f32
        %min3A_29 = vector.broadcast %min3A : f32 to vector<16xf32>
        %min3A_30 = arith.minimumf %max3A_28, %min3A_29 : vector<16xf32>
        %add3A_31 = arith.constant 1.000000e+00 : f32
        %add3A_32 = vector.broadcast %add3A_31 : f32 to vector<16xf32>
        %add3A_33 = arith.addf %min3A_30, %add3A_32 : vector<16xf32>
        %add3A_34 = arith.constant 1.000000e+02 : f32
        %add3A_35 = vector.broadcast %add3A_34 : f32 to vector<16xf32>
        %add3A_36 = arith.addf %add3A_33, %add3A_35 : vector<16xf32>
        %div3A = arith.constant 1.000000e-03 : f32
        %div3A_37 = vector.broadcast %div3A : f32 to vector<16xf32>
        %div3A_38 = arith.divf %add3A_36, %div3A_37 : vector<16xf32>
        %convert_element_type3A = arith.fptosi %div3A_38 : vector<16xf32> to vector<16xi32>
        %mul3A_39 = arith.constant 16 : i32
        %mul3A_40 = arith.muli %scan3A_22, %mul3A_39 : i32
        %swap3A = arith.index_cast %mul3A_40 : i32 to index
        %swap3A_41 = tpu.vector_load %arg6[%swap3A] {strides = array<i32>} : memref<256xi32, #tpu.memory_space<vmem>>, vector<16xi32>,
        %swap3A_42 = vector.shape_cast %swap3A_41 : vector<16xi32> to vector<16xi32>
        %swap3A_43 = vector.shape_cast %convert_element_type3A : vector<16xi32> to vector<16xi32>
        tpu.vector_store %arg6[%swap3A], %swap3A_43 {strides = array<i32>} : memref<256xi32, #tpu.memory_space<vmem>>, vector<16xi32>,
      }
      %scan3A_17 = arith.constant 16 : i32
      %dma_start3A = arith.constant 0 : i32
      %dma_start3A_18 = arith.constant 0 : i32
      %dma_start3A_19 = tpu.memref_slice %arg3[%dma_start3A, %dma_start3A_18] : memref<202000x128xf32, #tpu.memory_space<hbm>> -> memref<202000x128xf32, #tpu.memory_space<hbm>>
      tpu.enqueue_indirect_dma source(%dma_start3A_19 : memref<202000x128xf32, #tpu.memory_space<hbm>>) target(%arg7 : memref<256x128xf32, #tpu.memory_space<vmem>>) offsets(%arg6 : memref<256xi32, #tpu.memory_space<vmem>>) semaphore(%arg8 : memref<!tpu.dma_semaphore, #tpu.memory_space<semaphore_mem>>)
      %dma_wait3A = arith.constant 0 : i32
      %dma_wait3A_20 = arith.constant 0 : i32
      %dma_wait3A_21 = tpu.memref_slice %arg3[%dma_wait3A, %dma_wait3A_20] : memref<202000x128xf32, #tpu.memory_space<hbm>> -> memref<202000x128xf32, #tpu.memory_space<hbm>>
      tpu.wait_indirect_dma semaphore(%arg8 : memref<!tpu.dma_semaphore, #tpu.memory_space<semaphore_mem>>) src(%dma_wait3A_21 : memref<202000x128xf32, #tpu.memory_space<hbm>>) dst(%arg7 : memref<256x128xf32, #tpu.memory_space<vmem>>)
      "tpu.region"() ({
        %run_scoped3A = tpu.sem_alloc : memref<!tpu.dma_semaphore, #tpu.memory_space<semaphore_mem>>
        %dma_start3A_22 = arith.constant 0 : i32
        %dma_start3A_23 = tpu.memref_slice %arg4[%add3A_11, %dma_start3A_22] : memref<204800x128xf32, #tpu.memory_space<hbm>> -> memref<256x128xf32, #tpu.memory_space<hbm>>
        %dma_start3A_24 = arith.constant 0 : i32
        %dma_start3A_25 = tpu.memref_slice %arg4[%add3A_11, %dma_start3A_24] : memref<204800x128xf32, #tpu.memory_space<hbm>> -> memref<256x128xf32, #tpu.memory_space<hbm>>
        tpu.enqueue_dma source(%arg7 : memref<256x128xf32, #tpu.memory_space<vmem>>) target(%dma_start3A_25 : memref<256x128xf32, #tpu.memory_space<hbm>>) target_semaphore(%run_scoped3A : memref<!tpu.dma_semaphore, #tpu.memory_space<semaphore_mem>>)
        %dma_wait3A_26 = arith.constant 0 : i32
        %dma_wait3A_27 = tpu.memref_slice %arg4[%add3A_11, %dma_wait3A_26] : memref<204800x128xf32, #tpu.memory_space<hbm>> -> memref<256x128xf32, #tpu.memory_space<hbm>>
        %dma_wait3A_28 = arith.constant 0 : i32
        %dma_wait3A_29 = tpu.memref_slice %arg4[%add3A_11, %dma_wait3A_28] : memref<204800x128xf32, #tpu.memory_space<hbm>> -> memref<256x128xf32, #tpu.memory_space<hbm>>
        tpu.wait_dma2 semaphore(%run_scoped3A : memref<!tpu.dma_semaphore, #tpu.memory_space<semaphore_mem>>) src(%arg7 : memref<256x128xf32, #tpu.memory_space<vmem>>) dst(%dma_wait3A_29 : memref<256x128xf32, #tpu.memory_space<hbm>>)
        tpu.yield
      }) : () -> ()
    }
    %scan3A_7 = arith.constant 25 : i32
    return
  }
}

</mosaic_0001>

<sc_bundles>
// kernel: kernel.3.cloned.1.call-start
scs
__scs_entry_jumppad:
0x0: {  	(pc) =	sbr.rel $0x88, $3  }
0x1: {  	(tag) =	ssettag $0x0;
	lr =	simm.s32 $0x1  }
0x2: {  	[smem:$0x3F9F] =	sst lr;
	_ =	strace $0xD0000000  }
0x3: {  	_ = 	snop  }
0x4: {  	_ = 	snop  }
0x5: {  	_ = 	snop  }
0x6: {  	_ = 	snop  }
0x7: {  	_ = 	snop  }
__scs_overlays_trampoline_lowered:
0x8: {  	[smem:$0x3FAE] =	sst s0  }
0x9: {  	[smem:$0x3FAF] =	sst s1  }
0xa: {  	[smem:$0x3FB0] =	sst s2  }
0xb: {  	[smem:$0x3FB1] =	sst s3  }
0xc: {  	[smem:$0x3FB2] =	sst s4  }
0xd: {  	[smem:$0x3FB3] =	sst s5  }
0xe: {  	[smem:$0x3FB4] =	sst s6  }
0xf: {  	[smem:$0x3FB5] =	sst s7  }
0x10: {  	[smem:$0x3FB6] =	sst s8  }
0x11: {  	[smem:$0x3FB7] =	sst s9;
	s0 =	simm.s32 @!p0 $0x0  }
0x12: {  	s1 =	sld [smem:$0x3F9D];
	s0 =	simm.s32 @p0 $0x1  }
0x13: {  	[smem:$0x3FB8] =	sst s0;
	s0 =	simm.s32 @!p1 $0x0  }
0x14: {  	s2 =	sld [smem:$0x3F9C];
	s0 =	simm.s32 @p1 $0x1  }
0x15: {  	[smem:$0x3FB9] =	sst s0;
	s0 =	simm.s32 @!p2 $0x0  }
0x16: {  	s3 =	sld [smem:$0x3FDB];
	s0 =	simm.s32 @p2 $0x1  }
0x17: {  	s4 =	simm.s32 $0x1BF5;
	[smem:$0x3FBB] =	sst s0  }
0x18: {  	s0 =	sld [smem:$0x3F9E];
	_ =	swait.ge [sflag:s4], $0x0  }
0x19: {  	s7 =	sld [smem:$0x3F9F]  }
0x1a: {  	s8 =	sadd.s32 $0xFFFFE003, lr  }
0x1b: {  	s9 =	sadd.s32 $0xFFFFFEF7, lr;
	s5 =	simm.s32 $0xFFFFFFFF;
	p2 =	slt.u32 s8, $0xFFFFF086  }
0x1c: {  	p1 =	slt.u32 s9, $0xF7A;
	s5 =	simm.s32 @!p2 $0x0  }
0x1d: {  	s5 =	simm.s32 @p1 $0x1;
	p0 =	seq.s32 s7, s2  }
0x1e: {  	s7 =	smul.u32 @!p0 $0xF7A, s2;
	p2 =	seq.s32 @!p0 s5, $0x0  }
0x1f: {  	s9 =	smul.u32 $0xF7A, s1;
	s8 =	simm.s32 @!p0 $0x1BF5;
	p2 =	por !p2, p0  }
0x20: {  	[sflag:s8] =	ssyncset.s32 @!p0 $0xFFFFF086;
	s6 =	sadd.s32 @!p0 s3, s7;
	s7 =	simm.s32 @!p0 $0x108  }
0x21: {  	s3 =	sadd.s32 s3, s9;
	s6 =	sadd.s32 @!p0 $0x88, s6;
	s7 =	simm.s32 @p2 $0x1082  }
0x22: {  	[simem:s7], [sflag:s8] =	dma.local @!p0 [hbm:s6], $0xF7A  }
0x23: {  	s9 =	sor.u32 $0xD0000000, s2;
	s6 =	simm.s32 $0x108;
	_ =	swait.ge @!p0 [sflag:s8], $0x0  }
0x24: {  	s3 =	sadd.s32 $0x88, s3;
	s6 =	simm.s32 @!p1 $0x1082;
	[sflag:s4] =	ssyncset.s32 $0xFFFFF086  }
0x25: {  	[simem:s6], [sflag:s4] =	dma.local [hbm:s3], $0xF7A  }
0x26: {  	[smem:$0x3F9F] =	sst s1;
	(tag) =	ssettag s2;
	_ =	strace s9  }
0x27: {  	s1 =	sld [smem:$0x3FAF]  }
0x28: {  	s2 =	sld [smem:$0x3FB0]  }
0x29: {  	s4 =	sld [smem:$0x3FB2]  }
0x2a: {  	p0 =	seq.s32 s5, $0x0;
	s5 =	sld [smem:$0x3FB3]  }
0x2b: {  	s6 =	sld [smem:$0x3FB4]  }
0x2c: {  	s7 =	sld [smem:$0x3FB5]  }
0x2d: {  	s3 =	simm.s32 $0x108;
	s8 =	sld [smem:$0x3FB6]  }
0x2e: {  	s3 =	simm.s32 @!p0 $0x1082;
	s9 =	sld [smem:$0x3FB7]  }
0x2f: {  	lr =	sadd.s32 s0, s3;
	s0 =	sld [smem:$0x3FAE]  }
0x30: {  	s3 =	sld [smem:$0x3FB1]  }
0x31: {  	[smem:$0x3FBA] =	sst s10  }
0x32: {  	s10 =	sld [smem:$0x3FB8];
	_ =	sdelay $0x3  }
0x33: {  	p0 =	seq.s32 s10, $0x1;
	s10 =	sld [smem:$0x3FBA];
	_ =	sdelay $0x3  }
0x34: {  	[smem:$0x3FBA] =	sst s10  }
0x35: {  	s10 =	sld [smem:$0x3FB9];
	_ =	sdelay $0x3  }
0x36: {  	p1 =	seq.s32 s10, $0x1;
	s10 =	sld [smem:$0x3FBA];
	_ =	sdelay $0x3  }
0x37: {  	[smem:$0x3FBA] =	sst s10  }
0x38: {  	s10 =	sld [smem:$0x3FBB]  }
0x39: {  	_ = 	snop;
	(pc) =	sbr.ind lr, $3  }
0x3a: {  	_ = 	snop  }
0x3b: {  	_ = 	snop  }
0x3c: {  	p2 =	seq.s32 s10, $0x1;
	s10 =	sld [smem:$0x3FBA]  }
0x3d: {  	_ =	shalt  }
0x3e: {  	_ =	shalt  }
0x3f: {  	_ =	shalt  }
0x40: {  	_ =	shalt  }
0x41: {  	_ =	shalt  }
0x42: {  	_ =	shalt  }
0x43: {  	_ =	shalt  }
0x44: {  	_ =	shalt  }
0x45: {  	_ =	shalt  }
0x46: {  	_ =	shalt  }
0x47: {  	_ =	shalt  }
0x48: {  	_ =	shalt  }
0x49: {  	_ =	shalt  }
0x4a: {  	_ =	shalt  }
0x4b: {  	_ =	shalt  }
0x4c: {  	_ =	shalt  }
0x4d: {  	_ =	shalt  }
0x4e: {  	_ =	shalt  }
0x4f: {  	_ =	shalt  }
0x50: {  	_ =	shalt  }
0x51: {  	_ =	shalt  }
0x52: {  	_ =	shalt  }
0x53: {  	_ =	shalt  }
0x54: {  	_ =	shalt  }
0x55: {  	_ =	shalt  }
0x56: {  	_ =	shalt  }
0x57: {  	_ =	shalt  }
0x58: {  	_ =	shalt  }
0x59: {  	_ =	shalt  }
0x5a: {  	_ =	shalt  }
0x5b: {  	_ =	shalt  }
0x5c: {  	_ =	shalt  }
0x5d: {  	_ =	shalt  }
0x5e: {  	_ =	shalt  }
0x5f: {  	_ =	shalt  }
0x60: {  	_ =	shalt  }
0x61: {  	_ =	shalt  }
0x62: {  	_ =	shalt  }
0x63: {  	_ =	shalt  }
0x64: {  	_ =	shalt  }
0x65: {  	_ =	shalt  }
0x66: {  	_ =	shalt  }
0x67: {  	_ =	shalt  }
0x68: {  	_ =	shalt  }
0x69: {  	_ =	shalt  }
0x6a: {  	_ =	shalt  }
0x6b: {  	_ =	shalt  }
0x6c: {  	_ =	shalt  }
0x6d: {  	_ =	shalt  }
0x6e: {  	_ =	shalt  }
0x6f: {  	_ =	shalt  }
0x70: {  	_ =	shalt  }
0x71: {  	_ =	shalt  }
0x72: {  	_ =	shalt  }
0x73: {  	_ =	shalt  }
0x74: {  	_ =	shalt  }
0x75: {  	_ =	shalt  }
0x76: {  	_ =	shalt  }
0x77: {  	_ =	shalt  }
0x78: {  	_ =	shalt  }
0x79: {  	_ =	shalt  }
0x7a: {  	_ =	shalt  }
0x7b: {  	_ =	shalt  }
0x7c: {  	_ =	shalt  }
0x7d: {  	_ =	shalt  }
0x7e: {  	_ =	shalt  }
0x7f: {  	_ =	shalt  }
0x80: {  	_ =	shalt  }
0x81: {  	_ =	shalt  }
0x82: {  	_ =	shalt  }
0x83: {  	_ =	shalt  }
0x84: {  	_ =	shalt  }
0x85: {  	_ =	shalt  }
0x86: {  	_ =	shalt  }
0x87: {  	_ =	shalt  }
.Lfunc_end0:
.L_simem_size_0:
called_computation_lowered:
.L_overlay_start_0:
0x88: {  	s2 =	sld [smem:$0x3FD9]  }
0x89: {  	s3 =	sld [smem:$0x3FFE];
	_ =	sdelay $0x1  }
0x8a: {  	s1 =	srdreg.scid  }
0x8b: {  	s0 =	sand.u32 $0x1, s1  }
0x8c: {  	s17 =	sshll.u32 s0, $0xA;
	s2 =	sadd.s32 s3, s2  }
0x8d: {  	s2 =	sadd.s32 s2, s17  }
0x8e: {  	[smem:$0x3FC6] =	sst s2  }
0x8f: {  	_ = 	snop  }
0x90: {  	s2 =	sld [smem:$0x3FC8]  }
0x91: {  	s18 =	sld [smem:$0x3FD0];
	(tm) =	ssettm $0x1  }
0x92: {  	s4 =	sld [smem:$0x3FFB];
	_ =	sdelay $0x3  }
0x93: {  	_ =	strace s4  }
0x94: {  	s4 =	sld [smem:$0x3FFC];
	_ =	sdelay $0x3  }
0x95: {  	_ =	strace s4  }
0x96: {  	s4 =	sld [smem:$0x3FFD];
	_ =	sdelay $0x3  }
0x97: {  	_ =	strace s4  }
0x98: {  	_ =	strace $0x8FFFFFFF  }
0x99: {  	s19 =	sld [smem:$0x3FDB];
	_ =	sdelay $0x1  }
0x9a: {  	s5 =	simm.s32 $_scs_section_size  }
0x9b: {  	s6 =	simm.s32 $_size__tile_overlayer_lowered;
	s7 =	simm.s32 $_tile_overlayer_lowered  }
0x9c: {  	s22 =	simm.s32 $0x1BFF;
	s21 =	sshll.u32 s7, $0x1;
	s4 =	sadd.s32 s5, s19  }
0x9d: {  	s8 =	simm.s32 $0x0;
	s20 =	sshll.u32 s6, $0x1;
	s6 =	sadd.s32 s21, s4  }
0x9e: {  	[timem:s8], [sflag:s22] =	dma.local [hbm:s6], s20  }
0x9f: {  	_ =	swait.ge [sflag:s22], s20  }
0xa0: {  	s5 =	ssub.s32 $0x0, s20;
	[sflag:s22] =	ssyncset.done $0x0  }
0xa1: {  	[sflag:s22] =	ssyncadd.s32 s5;
	_ =	sdelay $0x1  }
0xa2: {  	s23 =	simm.s32 $0x1B8B  }
0xa3: {  	_ =	swait.ge [sflag:s23], $0x1  }
0xa4: {  	[sflag:s23] =	ssyncset.done $0x0  }
0xa5: {  	s25 =	simm.s32 $0x1B8E;
	s24 =	sld [smem:$0x3FFE];
	[sflag:s23] =	ssyncadd.s32 $0xFFFFFFFF  }
0xa6: {  	s26 =	simm.s32 $execute0_lowered;
	[smem:$0x3FD2] =	sst s25  }
0xa7: {  	s6 =	sshll.u32 s26, $0x1;
	_ =	strace $0x80000046;
	[dreg:$0x1] =	wrdreg $0xFFFFFFFF  }
0xa8: {  	s28 =	simm.s32 $_size_execute0_lowered;
	s4 =	sadd.s32 s4, s6;
	[dreg:$0x0] =	wrdreg $0x0  }
0xa9: {  	s6 =	sshll.u32 s28, $0x1;
	[dreg:$0x2] =	wrdreg s4  }
0xaa: {  	[dreg:$0x3] =	wrdreg s6  }
0xab: {  	[dreg:$0x4] =	wrdreg $0xC0  }
0xac: {  	_ =	task [dreg:s8], $0x5FFFF  }
0xad: {  	[dreg:$0x1] =	wrdreg $0xFFFFFFFF  }
0xae: {  	[dreg:$0x0] =	wrdreg $0x60  }
0xaf: {  	[dreg:$0x2] =	wrdreg s24  }
0xb0: {  	[dreg:$0x3] =	wrdreg s2  }
0xb1: {  	[dreg:$0x4] =	wrdreg s18  }
0xb2: {  	[dreg:$0x5] =	wrdreg $0x9  }
0xb3: {  	_ =	task.clear_ibuf [dreg:s8], $0x6FFFF;
	_ =	strace $0x90000046  }
0xb4: {  	s29 =	simm.s32 $0x9;
	_ =	strace $0x80000048  }
0xb5: {  	_ =	swait.ge [sflag:s29], $0x1  }
0xb6: {  	[sflag:s29] =	ssyncadd.s32 $0xFFFFFFFF  }
0xb7: {  	_ =	strace $0x90000048  }
0xb8: {  	_ =	sfence  }
0xb9: {  	s30 =	sld [smem:$0x0];
	_ =	sdelay $0x2  }
0xba: {  	s31 =	sshll.u32 s1, $0xD;
	s1 =	sshrl.u32 s1, $0x2  }
0xbb: {  	s3 =	sand.u32 $0x4000, s31;
	s1 =	sadd.s32 s1, s30  }
0xbc: {  	s0 =	sor.u32 s3, s0;
	s1 =	sshll.u32 s1, $0x11  }
0xbd: {  	s0 =	sor.u32 s1, s0  }
0xbe: {  	s0 =	sadd.s32 $0x8F2B, s0  }
0xbf: {  	[sflag:s0] =	ssyncadd.remote.s32 $0x1  }
0xc0: {  	_ =	sfence.sel $0xFFFF  }
0xc1: {  	[dreg:$0x0] =	wrdreg $0xFFFFFFFF;
	(pc) =	sbr.abs _section_cstart, $3  }
0xc2: {  	[dreg:$0x1] =	wrdreg $0xFFFFFFFF  }
0xc3: {  	_ =	task.clear_ibuf [dreg:s8], $0x2FFFF;
	_ =	strace $0x9FFFFFFF  }
0xc4: {  	(tm) =	ssettm $0x7FFFFFFF  }
0xc5: {  	_ =	shalt  }
tec
execute0_lowered:
.L_overlay_start_1:
0x0: {  	(tag) =	ssettag $0x1  }
0x1: {  	s5 =	rddreg [dreg:$0x0]  }
0x2: {  	s1 =	rddreg [dreg:$0x1]  }
0x3: {  	s2 =	rddreg [dreg:$0x2];
	s3 =	simm.s32 $0x0  }
0x4: {  	[smem:$0x7FF] =	sst s3  }
0x5: {  	s0 =	rddreg [dreg:$0x3];
	v0 =	vimm.f32 $1.000000050e-03;
	_ =	strace $0x80000047  }
0x6: {  	(erf) = vrcp.f32 v0;
	_ =	sdelay $0x3  }
0x7: {  	s6 =	srdreg.scid  }
0x8: {  	s4 =	stileid.u32;
	s10 =	simm.s32 $0x200;
	s6 =	sand.u32 $0x1, s6  }
0x9: {  	s11 =	simm.s32 $0x1;
	s12 =	simm.s32 $0x0;
	s7 =	ssub.s32 $0x2, s6  }
0xa: {  	s8 =	sshll.u32 s4, $0x1;
	s5 =	sadd.s32 $0x400, s5;
	s9 =	sshrl.u32 s7, $0x1  }
0xb: {  	s6 =	sor.u32 s6, s8;
	s8 =	simm.s32 $0x2;
	s7 =	ssub.s32 s7, s9  }
0xc: {  	s6 =	smul.u32 $0x1900, s6;
	s9 =	simm.s32 $0x100;
	s7 =	smax.u32 s7, $0x1;
	v0 =	vpop (erf)  }
.LBB2_1:
0xd: {  	s13 =	simm.s32 $0x0  }
.LBB2_2:
0xe: {  	s14 =	sshll.u32 s13, $0x8  }
0xf: {  	s14 =	sadd.s32 s6, s14  }
0x10: {  	s15 =	sshrl.u32 s14, $0x3  }
0x11: {  	s16 =	simm.s32 $0x0;
	s15 =	sadd.s32 s5, s15  }
0x12: {  	[tilespmem:s16], [sflag:$0x2] =	stream.linear.gather [hbm4b:s15+s16], $0x100, $0x38;
	[tilespmem:$0x8200] =	vst v63  }
0x13: {  	_ =	swait.ge [sflag:s8], $0x100  }
0x14: {  	[sflag:s8] =	ssyncset.done $0x0  }
0x15: {  	s15 =	simm.s32 $0x0;
	[sflag:s8] =	ssyncadd.s32 $0xFFFFFF00  }
0x16: {  	v1 =	vld [tilespmem:s15+$0x0];
	_ =	sdelay $0x4  }
0x17: {  	v1 =	vmax.f32 v1, $-1.000000000e+02  }
0x18: {  	s16 =	simm.s32 $0x10;
	v1 =	vmin.f32 v1, $1.000000000e+02  }
0x19: {  	v2 =	vadd.f32 $1.000000000e+00, v1;
	v1 =	vld [tilespmem:s16+$0x0];
	_ =	sdelay $0x2  }
0x1a: {  	v2 =	vadd.f32 $1.000000000e+02, v2  }
0x1b: {  	s17 =	simm.s32 $0x80  }
.LBB2_3:
0x1c: {  	s18 =	sshra.s32 s17, $0x2;
	p0 =	sne.s32 s17, $0x3C0;
	s17 =	sadd.s32 $0x40, s17;
	v3 =	vmax.f32 v1, $-1.000000000e+02;
	v2 =	vmul.f32 v2, v0  }
.Ltmp0:
0x1d: {  	v1 =	vld [tilespmem:s18+$0x0];
	v3 =	vmin.f32 v3, $1.000000000e+02;
	(pc) =	sbr.rel @p0 .LBB2_3-.Ltmp0, $4  }
0x1e: {  	v3 =	vadd.f32 $1.000000000e+00, v3;
	v2 =	vtrunc.f32 v2  }
0x1f: {  	v4 =	vcvt.f32.s32 v2  }
0x20: {  	v2 =	vadd.f32 $1.000000000e+02, v3  }
0x21: {  	[tilespmem:s15+$0x100] =	vst v4;
	s15 =	smov.u32 s16;
	s16 =	smov.u32 s18  }
0x22: {  	v1 =	vmax.f32 v1, $-1.000000000e+02  }
0x23: {  	v1 =	vmin.f32 v1, $1.000000000e+02  }
0x24: {  	v1 =	vadd.f32 $1.000000000e+00, v1;
	_ =	sdelay $0x1  }
0x25: {  	v1 =	vadd.f32 $1.000000000e+02, v1  }
0x26: {  	v2 =	vmul.f32 v2, v0  }
0x27: {  	v1 =	vmul.f32 v1, v0  }
0x28: {  	v2 =	vtrunc.f32 v2  }
0x29: {  	v2 =	vcvt.f32.s32 v2;
	v1 =	vtrunc.f32 v1  }
0x2a: {  	v1 =	vcvt.f32.s32 v1  }
0x2b: {  	[tilespmem:s15+$0x100] =	vst v2  }
0x2c: {  	[tilespmem:s16+$0x100] =	vst v1  }
0x2d: {  	[tilespmem:s10], [sflag:$0x1] =	stream.indirect.gather [hbm4b:s1+s9], $0x80, s9, s9, $0xb8;
	[tilespmem:$0x8200] =	vst v63  }
0x2e: {  	s13 =	sadd.s32 $0x1, s13;
	_ =	swait.ge [sflag:s11], $0x8000  }
0x2f: {  	s14 =	sshll.u32 s14, $0x4;
	p0 =	sne.s32 s13, $0x19;
	[sflag:s11] =	ssyncset.done $0x0  }
.Ltmp1:
0x30: {  	s14 =	sadd.s32 s2, s14;
	[sflag:s11] =	ssyncadd.s32 $0xFFFF8000;
	(pc) =	sbr.rel @p0 .LBB2_2-.Ltmp1, $4  }
0x31: {  	[hbm4b:s14+s3] =	stream.linear.scatter [tilespmem:s10], [sflag:$0x2], $0x8000, $0x38;
	[tilespmem:$0x8200] =	vst v63  }
0x32: {  	_ =	swait.ge [sflag:s8], $0x8000  }
0x33: {  	[sflag:s8] =	ssyncset.done $0x0  }
0x34: {  	[sflag:s8] =	ssyncadd.s32 $0xFFFF8000  }
0x35: {  	s12 =	sadd.s32 $0x1, s12  }
0x36: {  	p0 =	sne.s32 s12, s7  }
.Ltmp2:
0x37: {  	_ = 	snop;
	(pc) =	sbr.rel @p0 .LBB2_1-.Ltmp2, $1  }
0x38: {  	_ =	sdelay $0x3  }
0x39: {  	_ =	sfence.sel $0x180000  }
0x3a: {  	[bflag:$0x0] =	sbarrier.arrive $0xFFFF  }
0x3b: {  	p0 =	sne.s32 s4, $0x0;
	_ =	strace $0x90000047  }
0x3c: {  	s0 =	sadd.s32 @!p0 $0x100000, s0;
	[bflag:$0x2] =	sbarrier.arrive $0xFFFF  }
0x3d: {  	[sflag:s0] =	ssyncadd.tile.s32 @!p0 $0x1;
	_ =	shalt  }
.Lfunc_end2:
_tile_overlayer_lowered:
.L_overlay_start_2:
0x3e: {  	(tag) =	ssettag $0x2  }
0x3f: {  	s0 =	rddreg [dreg:$0x0];
	s2 =	stileid.u32  }
0x40: {  	s1 =	rddreg [dreg:$0x1];
	p0 =	sne.s32 s2, $0x0  }
0x41: {  	s3 =	rddreg [dreg:$0x2];
	[bflag:$0x3] =	sbarrier.arrive $0xFFFF;
	s2 =	simm.s32 @!p0 $0x1C02  }
0x42: {  	[timem:s3], [sflag:s2] =	dma.local @!p0 [hbm:s0], s1  }
0x43: {  	s0 =	simm.s32 @!p0 $0x2  }
0x44: {  	_ =	swait.ge @!p0 [sflag:s0], s1  }
0x45: {  	s1 =	ssub.s32 @!p0 $0x0, s1;
	[sflag:s0] =	ssyncset.done @!p0 $0x0  }
0x46: {  	[sflag:s0] =	ssyncadd.s32 @!p0 s1  }
0x47: {  	[bflag:$0x3] =	sbarrier.arrive $0xFFFF  }
0x48: {  	_ =	shalt  }

</sc_bundles>
